<compile_context>
chip_gen: v7x
topology: tpu7x:2x2x1
jax: 0.10.2.dev20260603
libtpu: 0.0.44.dev20260713+nightly
codegen_flags: <defaults>
</compile_context>

<pallas_src>
import functools

import jax
import jax.numpy as jnp
import numpy as np
from jax.experimental import pallas as pl
from jax.experimental.pallas import tpu as pltpu

_NUM_CLASSES = 80
_C = _NUM_CLASSES + 6
_ANCHORS = [[12.0, 16.0], [19.0, 36.0], [40.0, 28.0]]
_ANGLES = [-1.0471975511965976, -0.5235987755982988, 0.0,
           0.5235987755982988, 1.0471975511965976, 1.5707963267948966]
_STRIDE = 8
_SCALE_XY = 1.05
_MASKED_NP = np.array([(aw / _STRIDE, ah / _STRIDE, a)
                       for aw, ah in _ANCHORS for a in _ANGLES],
                      dtype=np.float32)
_NA = _MASKED_NP.shape[0]


def _decode_body(m_ref, x_ref, o_ref, *, YC, G):
    x = x_ref[0, 0]
    top = x[0:8]
    rest = x[8:]

    rest_y = jnp.tanh(rest * 0.5) * 0.5 + 0.5

    rid = jax.lax.broadcasted_iota(jnp.int32, (8, YC, G), 0)
    sig = jnp.tanh(top * 0.5) * 0.5 + 0.5
    e = jnp.exp(top)

    k = pl.program_id(2)
    gx = jax.lax.broadcasted_iota(jnp.int32, (8, YC, G), 2).astype(jnp.float32)
    gy = (jax.lax.broadcasted_iota(jnp.int32, (8, YC, G), 1)
          + k * YC).astype(jnp.float32)

    aw8 = m_ref[0, 0, 0]
    ah8 = m_ref[0, 0, 1]
    aa = m_ref[0, 0, 2]

    xy = sig * (8.0 * _SCALE_XY) + (8.0 * jnp.where(rid == 0, gx, gy)
                                    - 8.0 * (_SCALE_XY - 1.0) / 2.0)
    wh = e * jnp.where(rid == 2, aw8, ah8)
    top_y = jnp.where(rid < 2, xy,
                      jnp.where(rid < 4, wh,
                                jnp.where(rid == 4, top + aa, sig)))

    y = jnp.concatenate([top_y, rest_y], axis=0)
    y2 = y.reshape(_C, YC * G)
    o_ref[0, 0] = y2.T


def kernel(output):
    B = output.shape[0]
    G = output.shape[2]
    YC = 32
    nk = G // YC

    x = output.reshape(B, _NA, _C, G, G)
    masked8 = np.zeros((_NA, 1, 8), dtype=np.float32)
    masked8[:, 0, 0] = _MASKED_NP[:, 0] * _STRIDE
    masked8[:, 0, 1] = _MASKED_NP[:, 1] * _STRIDE
    masked8[:, 0, 2] = _MASKED_NP[:, 2]
    m = jnp.asarray(masked8)

    out = pl.pallas_call(
        functools.partial(_decode_body, YC=YC, G=G),
        grid=(B, _NA, nk),
        in_specs=[
            pl.BlockSpec((1, 1, 8), lambda b, a, k: (a, 0, 0),
                         memory_space=pltpu.SMEM),
            pl.BlockSpec((1, 1, _C, YC, G), lambda b, a, k: (b, a, 0, k, 0)),
        ],
        out_specs=pl.BlockSpec((1, 1, YC * G, _C),
                               lambda b, a, k: (b, a, k, 0)),
        out_shape=jax.ShapeDtypeStruct((B, _NA, G * G, _C), jnp.float32),
    )(m, x)
    return out.reshape(B, _NA * G * G, _C)

# --- scband reference (transcript-rebuilt; emitter-appended) ---
"""Pipeline reference for scband-yolov4-layer-33466385170571 (READ-ONLY COPY).

The authoritative reference and input builder live on the scoring server;
editing this copy changes nothing except your own understanding.
"""

import jax, jax.numpy as jnp
import numpy as np

NUM_CLASSES = 80
ANCHORS = [[12.0, 16.0], [19.0, 36.0], [40.0, 28.0]]
ANGLES = [-1.0471975511965976, -0.5235987755982988, 0.0, 0.5235987755982988, 1.0471975511965976, 1.5707963267948966]
STRIDE = 8
SCALE_XY = 1.05
MASKED = np.array([(aw / STRIDE, ah / STRIDE, a) for aw, ah in ANCHORS for a in ANGLES], dtype=np.float32)
NA = MASKED.shape[0]


def setup_inputs(seed: int = 0) -> dict:
    key = jax.random.key(seed)
    output = jax.random.normal(key, (8, NA * (NUM_CLASSES + 6), 64, 64), dtype=jnp.float32)
    return {"output": output}


def reference(output):
    B = output.shape[0]
    G = output.shape[2]
    prediction = output.reshape(B, NA, NUM_CLASSES + 6, G, G).transpose(0, 1, 3, 4, 2)
    pred_x = jax.nn.sigmoid(prediction[..., 0]) * SCALE_XY - (SCALE_XY - 1) / 2
    pred_y = jax.nn.sigmoid(prediction[..., 1]) * SCALE_XY - (SCALE_XY - 1) / 2
    pred_w = prediction[..., 2]
    pred_h = prediction[..., 3]
    pred_a = prediction[..., 4]
    pred_conf = jax.nn.sigmoid(prediction[..., 5])
    pred_cls = jax.nn.sigmoid(prediction[..., 6:])
    grid_x = jnp.tile(jnp.arange(G, dtype=jnp.float32), (G, 1)).reshape(1, 1, G, G)
    grid_y = jnp.tile(jnp.arange(G, dtype=jnp.float32), (G, 1)).T.reshape(1, 1, G, G)
    ma = jnp.asarray(MASKED)
    anchor_w = ma[:, 0].reshape(1, NA, 1, 1)
    anchor_h = ma[:, 1].reshape(1, NA, 1, 1)
    anchor_a = ma[:, 2].reshape(1, NA, 1, 1)
    bx = pred_x + grid_x
    by = pred_y + grid_y
    bw = jnp.exp(pred_w) * anchor_w
    bh = jnp.exp(pred_h) * anchor_h
    ba = pred_a + anchor_a
    pred_boxes = jnp.stack([bx, by, bw, bh], axis=-1)
    out = jnp.concatenate([
        pred_boxes.reshape(B, -1, 4) * STRIDE,
        ba.reshape(B, -1, 1),
        pred_conf.reshape(B, -1, 1),
        pred_cls.reshape(B, -1, NUM_CLASSES),
    ], axis=-1)
    return out

if __name__ == "__main__":
    import jax
    _d = setup_inputs()
    print(jax.jit(kernel)(*tuple(_d.values())))

</pallas_src>

<mosaic_0001>
module attributes {stable_mosaic.version = 14 : i64} {
  func.func @_decode_body(%arg0: i32, %arg1: i32, %arg2: i32, %arg3: memref<1x1x8xf32, #tpu.memory_space<smem>>, %arg4: memref<1x1x86x32x64xf32, #tpu.memory_space<vmem>>, %arg5: memref<1x1x2048x86xf32, #tpu.memory_space<vmem>>) attributes {dimension_semantics = [#tpu.dimension_semantics<arbitrary>, #tpu.dimension_semantics<arbitrary>, #tpu.dimension_semantics<arbitrary>], iteration_bounds = array<i64: 8, 18, 2>, scalar_prefetch = 0 : i64, scratch_operands = 0 : i64, tpu.core_type = #tpu.core_type<tc>, window_params = [{transform_indices = @transform_0, window_bounds = array<i64: 1, 1, 8>}, {transform_indices = @transform_1, window_bounds = array<i64: 1, 1, 86, 32, 64>}, {transform_indices = @transform_2, window_bounds = array<i64: 1, 1, 2048, 86>}]} {
    %get3A = arith.constant 0 : index
    %get3A_0 = arith.constant 0 : index
    %get3A_1 = arith.constant 0 : index
    %get3A_2 = arith.constant 0 : index
    %get3A_3 = arith.constant 0 : index
    %get3A_4 = vector.load %arg4[%get3A, %get3A_0, %get3A_1, %get3A_2, %get3A_3] : memref<1x1x86x32x64xf32, #tpu.memory_space<vmem>>, vector<1x1x86x32x64xf32>
    %get3A_5 = vector.shape_cast %get3A_4 : vector<1x1x86x32x64xf32> to vector<86x32x64xf32>
    %slice3A = vector.extract_strided_slice %get3A_5 {offsets = [0, 0, 0], sizes = [8, 32, 64], strides = [1, 1, 1]} : vector<86x32x64xf32> to vector<8x32x64xf32>
    %slice3A_6 = vector.extract_strided_slice %get3A_5 {offsets = [8, 0, 0], sizes = [78, 32, 64], strides = [1, 1, 1]} : vector<86x32x64xf32> to vector<78x32x64xf32>
    %mul3A = arith.constant 5.000000e-01 : f32
    %mul3A_7 = vector.broadcast %mul3A : f32 to vector<78x32x64xf32>
    %mul3A_8 = arith.mulf %slice3A_6, %mul3A_7 : vector<78x32x64xf32>
    %tanh3A = math.tanh %mul3A_8 : vector<78x32x64xf32>
    %mul3A_9 = arith.constant 5.000000e-01 : f32
    %mul3A_10 = vector.broadcast %mul3A_9 : f32 to vector<78x32x64xf32>
    %mul3A_11 = arith.mulf %tanh3A, %mul3A_10 : vector<78x32x64xf32>
    %add3A = arith.constant 5.000000e-01 : f32
    %add3A_12 = vector.broadcast %add3A : f32 to vector<78x32x64xf32>
    %add3A_13 = arith.addf %mul3A_11, %add3A_12 : vector<78x32x64xf32>
    %iota3A = tpu.iota {dimensions = array<i32: 0>} : vector<8x32x64xi32>
    %mul3A_14 = arith.constant 5.000000e-01 : f32
    %mul3A_15 = vector.broadcast %mul3A_14 : f32 to vector<8x32x64xf32>
    %mul3A_16 = arith.mulf %slice3A, %mul3A_15 : vector<8x32x64xf32>
    %tanh3A_17 = math.tanh %mul3A_16 : vector<8x32x64xf32>
    %mul3A_18 = arith.constant 5.000000e-01 : f32
    %mul3A_19 = vector.broadcast %mul3A_18 : f32 to vector<8x32x64xf32>
    %mul3A_20 = arith.mulf %tanh3A_17, %mul3A_19 : vector<8x32x64xf32>
    %add3A_21 = arith.constant 5.000000e-01 : f32
    %add3A_22 = vector.broadcast %add3A_21 : f32 to vector<8x32x64xf32>
    %add3A_23 = arith.addf %mul3A_20, %add3A_22 : vector<8x32x64xf32>
    %exp3A = math.exp %slice3A : vector<8x32x64xf32>
    %iota3A_24 = tpu.iota {dimensions = array<i32: 2>} : vector<8x32x64xi32>
    %convert_element_type3A = arith.sitofp %iota3A_24 : vector<8x32x64xi32> to vector<8x32x64xf32>
    %iota3A_25 = tpu.iota {dimensions = array<i32: 1>} : vector<8x32x64xi32>
    %mul3A_26 = arith.constant 32 : i32
    %mul3A_27 = arith.muli %arg2, %mul3A_26 : i32
    %add3A_28 = vector.broadcast %mul3A_27 : i32 to vector<8x32x64xi32>
    %add3A_29 = arith.addi %iota3A_25, %add3A_28 : vector<8x32x64xi32>
    %convert_element_type3A_30 = arith.sitofp %add3A_29 : vector<8x32x64xi32> to vector<8x32x64xf32>
    %get3A_31 = arith.constant 0 : index
    %get3A_32 = arith.constant 0 : index
    %get3A_33 = arith.constant 0 : index
    %get3A_34 = memref.load %arg3[%get3A_31, %get3A_32, %get3A_33] : memref<1x1x8xf32, #tpu.memory_space<smem>>
    %get3A_35 = arith.constant 0 : index
    %get3A_36 = arith.constant 0 : index
    %get3A_37 = arith.constant 1 : index
    %get3A_38 = memref.load %arg3[%get3A_35, %get3A_36, %get3A_37] : memref<1x1x8xf32, #tpu.memory_space<smem>>
    %get3A_39 = arith.constant 0 : index
    %get3A_40 = arith.constant 0 : index
    %get3A_41 = arith.constant 2 : index
    %get3A_42 = memref.load %arg3[%get3A_39, %get3A_40, %get3A_41] : memref<1x1x8xf32, #tpu.memory_space<smem>>
    %mul3A_43 = arith.constant 8.39999961 : f32
    %mul3A_44 = vector.broadcast %mul3A_43 : f32 to vector<8x32x64xf32>
    %mul3A_45 = arith.mulf %add3A_23, %mul3A_44 : vector<8x32x64xf32>
    %eq3A = arith.constant 0 : i32
    %eq3A_46 = vector.broadcast %eq3A : i32 to vector<8x32x64xi32>
    %eq3A_47 = arith.cmpi eq, %iota3A, %eq3A_46 : vector<8x32x64xi32>
    %select_n3A = arith.select %eq3A_47, %convert_element_type3A, %convert_element_type3A_30 : vector<8x32x64xi1>, vector<8x32x64xf32>
    %mul3A_48 = arith.constant 8.000000e+00 : f32
    %mul3A_49 = vector.broadcast %mul3A_48 : f32 to vector<8x32x64xf32>
    %mul3A_50 = arith.mulf %mul3A_49, %select_n3A : vector<8x32x64xf32>
    %sub3A = arith.constant 2.000000e-01 : f32
    %sub3A_51 = vector.broadcast %sub3A : f32 to vector<8x32x64xf32>
    %sub3A_52 = arith.subf %mul3A_50, %sub3A_51 : vector<8x32x64xf32>
    %add3A_53 = arith.addf %mul3A_45, %sub3A_52 : vector<8x32x64xf32>
    %eq3A_54 = arith.constant 2 : i32
    %eq3A_55 = vector.broadcast %eq3A_54 : i32 to vector<8x32x64xi32>
    %eq3A_56 = arith.cmpi eq, %iota3A, %eq3A_55 : vector<8x32x64xi32>
    %broadcast_in_dim3A = vector.broadcast %get3A_34 : f32 to vector<8x32x64xf32>
    %broadcast_in_dim3A_57 = vector.broadcast %get3A_38 : f32 to vector<8x32x64xf32>
    %select_n3A_58 = arith.select %eq3A_56, %broadcast_in_dim3A, %broadcast_in_dim3A_57 : vector<8x32x64xi1>, vector<8x32x64xf32>
    %mul3A_59 = arith.mulf %exp3A, %select_n3A_58 : vector<8x32x64xf32>
    %lt3A = arith.constant 2 : i32
    %lt3A_60 = vector.broadcast %lt3A : i32 to vector<8x32x64xi32>
    %lt3A_61 = arith.cmpi slt, %iota3A, %lt3A_60 : vector<8x32x64xi32>
    %lt3A_62 = arith.constant 4 : i32
    %lt3A_63 = vector.broadcast %lt3A_62 : i32 to vector<8x32x64xi32>
    %lt3A_64 = arith.cmpi slt, %iota3A, %lt3A_63 : vector<8x32x64xi32>
    %eq3A_65 = arith.constant 4 : i32
    %eq3A_66 = vector.broadcast %eq3A_65 : i32 to vector<8x32x64xi32>
    %eq3A_67 = arith.cmpi eq, %iota3A, %eq3A_66 : vector<8x32x64xi32>
    %add3A_68 = vector.broadcast %get3A_42 : f32 to vector<8x32x64xf32>
    %add3A_69 = arith.addf %slice3A, %add3A_68 : vector<8x32x64xf32>
    %select_n3A_70 = arith.select %eq3A_67, %add3A_69, %add3A_23 : vector<8x32x64xi1>, vector<8x32x64xf32>
    %select_n3A_71 = arith.select %lt3A_64, %mul3A_59, %select_n3A_70 : vector<8x32x64xi1>, vector<8x32x64xf32>
    %select_n3A_72 = arith.select %lt3A_61, %add3A_53, %select_n3A_71 : vector<8x32x64xi1>, vector<8x32x64xf32>
    %concatenate3A = tpu.concatenate %select_n3A_72, %add3A_13 in 0 : vector<8x32x64xf32>, vector<78x32x64xf32> -> vector<86x32x64xf32>
    %reshape3A = vector.shape_cast %concatenate3A : vector<86x32x64xf32> to vector<86x2048xf32>
    %transpose3A = tpu.transpose %reshape3A, [1, 0] : vector<86x2048xf32> -> vector<2048x86xf32>
    %swap3A = arith.constant 0 : index
    %swap3A_73 = arith.constant 0 : index
    %swap3A_74 = arith.constant 0 : index
    %swap3A_75 = arith.constant 0 : index
    %swap3A_76 = vector.load %arg5[%swap3A, %swap3A_73, %swap3A_74, %swap3A_75] : memref<1x1x2048x86xf32, #tpu.memory_space<vmem>>, vector<1x1x2048x86xf32>
    %swap3A_77 = vector.shape_cast %swap3A_76 : vector<1x1x2048x86xf32> to vector<2048x86xf32>
    %swap3A_78 = vector.shape_cast %transpose3A : vector<2048x86xf32> to vector<1x1x2048x86xf32>
    tpu.vector_store %arg5[%swap3A, %swap3A_73, %swap3A_74, %swap3A_75], %swap3A_78 {strides = array<i32>} : memref<1x1x2048x86xf32, #tpu.memory_space<vmem>>, vector<1x1x2048x86xf32>,
    return
  }
  func.func @transform_0(%arg0: i32, %arg1: i32, %arg2: i32) -> (i32, i32, i32) {
    %c0_i32 = arith.constant 0 : i32
    %c0_i32_0 = arith.constant 0 : i32
    %c0_i32_1 = arith.constant 0 : i32
    return %arg1, %c0_i32, %c0_i32_0 : i32, i32, i32
  }
  func.func @transform_1(%arg0: i32, %arg1: i32, %arg2: i32) -> (i32, i32, i32, i32, i32) {
    %c0_i32 = arith.constant 0 : i32
    %c0_i32_0 = arith.constant 0 : i32
    %c0_i32_1 = arith.constant 0 : i32
    return %arg0, %arg1, %c0_i32, %arg2, %c0_i32_0 : i32, i32, i32, i32, i32
  }
  func.func @transform_2(%arg0: i32, %arg1: i32, %arg2: i32) -> (i32, i32, i32, i32) {
    %c0_i32 = arith.constant 0 : i32
    %c0_i32_0 = arith.constant 0 : i32
    return %arg0, %arg1, %arg2, %c0_i32 : i32, i32, i32, i32
  }
}

</mosaic_0001>

<sc_bundles>
// kernel: sparse-core-data-format-call.cloned.1.call-start
scs
called_computation_lowered:
.L_overlay_start_0:
0x0: {  	s2 =	sld [smem:$0x3FD9]  }
0x1: {  	s3 =	sld [smem:$0x3FFE];
	_ =	sdelay $0x1  }
0x2: {  	s1 =	srdreg.scid  }
0x3: {  	s0 =	sand.u32 $0x1, s1  }
0x4: {  	s18 =	sshll.u32 s0, $0xA;
	s2 =	sadd.s32 s3, s2  }
0x5: {  	s2 =	sadd.s32 s2, s18  }
0x6: {  	[smem:$0x3FC7] =	sst s2  }
0x7: {  	_ = 	snop  }
0x8: {  	s2 =	sld [smem:$0x3FD0];
	(tm) =	ssettm $0x1  }
0x9: {  	s19 =	sld [smem:$0x3FFB];
	_ =	sdelay $0x3  }
0xa: {  	_ =	strace s19  }
0xb: {  	s3 =	sld [smem:$0x3FFC];
	_ =	sdelay $0x3  }
0xc: {  	_ =	strace s3  }
0xd: {  	s3 =	sld [smem:$0x3FFD];
	_ =	sdelay $0x3  }
0xe: {  	_ =	strace s3  }
0xf: {  	_ =	strace $0x8FFFFFFF  }
0x10: {  	s20 =	sld [smem:$0x3FDB];
	_ =	sdelay $0x1  }
0x11: {  	s4 =	simm.s32 $_scs_section_size  }
0x12: {  	s5 =	simm.s32 $_size__tile_overlayer_lowered;
	s6 =	simm.s32 $_tile_overlayer_lowered  }
0x13: {  	s23 =	simm.s32 $0x1BFF;
	s22 =	sshll.u32 s6, $0x1;
	s3 =	sadd.s32 s4, s20  }
0x14: {  	s7 =	simm.s32 $0x0;
	s21 =	sshll.u32 s5, $0x1;
	s5 =	sadd.s32 s22, s3  }
0x15: {  	[timem:s7], [sflag:s23] =	dma.local [hbm:s5], s21  }
0x16: {  	_ =	swait.ge [sflag:s23], s21  }
0x17: {  	s4 =	ssub.s32 $0x0, s21;
	[sflag:s23] =	ssyncset.done $0x0  }
0x18: {  	[sflag:s23] =	ssyncadd.s32 s4;
	_ =	sdelay $0x1  }
0x19: {  	s24 =	simm.s32 $0x1B8B  }
0x1a: {  	_ =	swait.ge [sflag:s24], $0x1  }
0x1b: {  	[sflag:s24] =	ssyncset.done $0x0  }
0x1c: {  	s26 =	simm.s32 $0x1B8E;
	s25 =	sld [smem:$0x3FFE];
	[sflag:s24] =	ssyncadd.s32 $0xFFFFFFFF  }
0x1d: {  	s27 =	simm.s32 $execute0_lowered;
	[smem:$0x3FD2] =	sst s26  }
0x1e: {  	s5 =	sshll.u32 s27, $0x1;
	_ =	strace $0x80000046;
	[dreg:$0x1] =	wrdreg $0xFFFFFFFF  }
0x1f: {  	s28 =	simm.s32 $_size_execute0_lowered;
	s3 =	sadd.s32 s3, s5;
	[dreg:$0x0] =	wrdreg $0x0  }
0x20: {  	s5 =	sshll.u32 s28, $0x1;
	[dreg:$0x2] =	wrdreg s3  }
0x21: {  	[dreg:$0x3] =	wrdreg s5  }
0x22: {  	[dreg:$0x4] =	wrdreg $0xC0  }
0x23: {  	_ =	task [dreg:s7], $0x5FFFF  }
0x24: {  	[dreg:$0x1] =	wrdreg $0xFFFFFFFF  }
0x25: {  	[dreg:$0x0] =	wrdreg $0x60  }
0x26: {  	[dreg:$0x2] =	wrdreg s25  }
0x27: {  	[dreg:$0x3] =	wrdreg s2  }
0x28: {  	[dreg:$0x4] =	wrdreg $0x9  }
0x29: {  	_ =	task.clear_ibuf [dreg:s7], $0x5FFFF;
	_ =	strace $0x90000046  }
0x2a: {  	s29 =	simm.s32 $0x9;
	_ =	strace $0x80000048  }
0x2b: {  	_ =	swait.ge [sflag:s29], $0x1  }
0x2c: {  	[sflag:s29] =	ssyncadd.s32 $0xFFFFFFFF  }
0x2d: {  	_ =	strace $0x90000048  }
0x2e: {  	_ =	sfence  }
0x2f: {  	s30 =	sld [smem:$0x0];
	_ =	sdelay $0x2  }
0x30: {  	s31 =	sshll.u32 s1, $0xD;
	s1 =	sshrl.u32 s1, $0x2  }
0x31: {  	s3 =	sand.u32 $0x4000, s31;
	s1 =	sadd.s32 s1, s30  }
0x32: {  	s0 =	sor.u32 s3, s0;
	s1 =	sshll.u32 s1, $0x11  }
0x33: {  	s0 =	sor.u32 s1, s0  }
0x34: {  	s0 =	sadd.s32 $0x8F2B, s0  }
0x35: {  	[sflag:s0] =	ssyncadd.remote.s32 $0x1  }
0x36: {  	_ =	sfence.sel $0xFFFF  }
0x37: {  	[dreg:$0x0] =	wrdreg $0xFFFFFFFF;
	(pc) =	sbr.abs _section_cstart, $3  }
0x38: {  	[dreg:$0x1] =	wrdreg $0xFFFFFFFF  }
0x39: {  	_ =	task.clear_ibuf [dreg:s7], $0x2FFFF;
	_ =	strace $0x9FFFFFFF  }
0x3a: {  	(tm) =	ssettm $0x7FFFFFFF  }
0x3b: {  	_ =	shalt  }
tec
execute0_lowered:
.L_overlay_start_1:
0x0: {  	(tag) =	ssettag $0x1  }
0x1: {  	s0 =	stileid.u32;
	s4 =	rddreg [dreg:$0x0]  }
0x2: {  	s1 =	srdreg.scid;
	s2 =	rddreg [dreg:$0x1]  }
0x3: {  	s8 =	simm.s32 $0x1;
	s9 =	simm.s32 $0x2;
	s15 =	simm.s32 $0x0  }
0x4: {  	s16 =	simm.s32 $0x0;
	s3 =	sshll.u32 s0, $0x4;
	s1 =	sshll.u32 s1, $0x8  }
0x5: {  	s10 =	simm.s32 $0x0;
	s11 =	simm.s32 $0x0;
	s3 =	sor.u32 s3, s1  }
0x6: {  	s14 =	simm.s32 $0x0;
	s4 =	sadd.s32 $0xC18600, s4;
	s3 =	sand.u32 $0x180, s3  }
0x7: {  	s5 =	sand.u32 $0x7, s0;
	s1 =	rddreg [dreg:$0x2];
	s7 =	ssub.s32 $0x12000, s3  }
.Ltmp0:
0x8: {  	_ =	strace $0x80000047;
	s6 =	sand.u32 $0x180, s7;
	(pc) =	sbr.rel .LBB1_1-.Ltmp0, $4  }
0x9: {  	s13 =	smov.u32 s5;
	s12 =	smov.u32 s3;
	p0 =	sne.s32 s6, $0x0  }
0xa: {  	s7 =	sshrl.u32 s7, $0x9;
	s6 =	simm.s32 $0x1;
	s8 =	simm.s32 @!p0 $0x0  }
0xb: {  	[sflag:s6] =	ssyncpa.u1 $0x0;
	p0 =	por $0x0, $0x0;
	s7 =	sadd.s32 s8, s7  }
0xc: {  	[sflag:s9] =	ssyncpa.u1 $0x0;
	s9 =	simm.s32 $0x90000;
	s8 =	sadd.s32 $0x1, s7  }
.LBB1_4:
0xd: {  	s22 =	sshrl.u32 s11, $0x3;
	s23 =	sshll.u32 s10, $0x3  }
0xe: {  	s24 =	sshll.u32 s11, $0x7;
	s25 =	sand.u32 $0x7F, s10;
	s21 =	sshra.s32 s21, $0x2  }
0xf: {  	p1 =	sgt.s32 s11, $0x7;
	s30 =	sshra.s32 s11, $0x1F;
	s26 =	sshra.s32 s10, $0x1F  }
0x10: {  	s22 =	smul.u32 $0x90000, s22;
	s23 =	sand.u32 $0xFFFFFC00, s23;
	s24 =	sand.u32 $0x380, s24  }
0x11: {  	s20 =	sadd.s32 s21, s20;
	s21 =	smov.u32 s11;
	s26 =	sand.u32 s26, s10  }
0x12: {  	v5 =	vld [tilespmem:s18+$0xFFFFFFD0];
	[tilespmem:s19+$0x2040 ss:$0x81] =	vst.msk $0xffff, v4;
	s28 =	sor.u32 s25, s24;
	s21 =	simm.s32 @!p1 $0x7;
	s25 =	sand.u32 s30, s11  }
0x13: {  	v58 =	vld [tilespmem:s18+$0xFFFFFFE0];
	[tilespmem:s19+$0x2850 ss:$0x81] =	vst.msk $0xffff, v3;
	p1 =	sgt.s32 s10, $0x11F80;
	s22 =	sadd.s32 s22, s23;
	s21 =	ssub.s32 s21, s25  }
0x14: {  	v59 =	vld [tilespmem:s18+$0xFFFFFFF0];
	[tilespmem:s19+$0x3060 ss:$0x81] =	vst.msk $0xffff, v2;
	s25 =	smov.u32 s10;
	s23 =	sor.u32 s22, s28;
	s31 =	smulhi.u32 $0x38E38E39, s22  }
0x15: {  	[tilespmem:s19+$0x0 ss:$0x81] =	vst.msk $0xffff, v1;
	v60 =	vld [tilespmem:s18+$0x0];
	s25 =	simm.s32 @!p1 $0x11F80;
	s27 =	sadd.s32 $0xFFFFFFF9, s21;
	s29 =	smulhi.u32 $0x38E38E39, s23  }
0x16: {  	v61 =	vld [tilespmem:s18+$0x10];
	[tilespmem:s20+$0x3870 ss:$0x81] =	vst.msk $0xffff, v0;
	s21 =	ssub.s32 $0x8, s21;
	s22 =	ssub.s32 s25, s26;
	p1 =	sgt.s32 s27, $0x0  }
0x17: {  	v62 =	vld [tilespmem:s18+$0x20];
	[tilespmem:s20+$0x810 ss:$0x81] =	vst.msk $0xffff, v5;
	s21 =	smul.u32 $0x56, s21;
	s28 =	sadd.s32 $0xFFFEE080, s22;
	s24 =	sshrl.u32 s29, $0xE  }
0x18: {  	v63 =	vld [tilespmem:s18+$0xFFFFFFC0];
	[tilespmem:s20+$0x1020 ss:$0x81] =	vst.msk $0xffff, v58;
	s22 =	ssub.s32 $0x12000, s22;
	s19 =	sshrl.u32 s31, $0xE;
	s29 =	smul.u32 $0x12000, s24  }
0x19: {  	[tilespmem:s20+$0x1830 ss:$0x81] =	vst.msk $0xffff, v59;
	p2 =	sgt.s32 s28, $0x7F;
	s21 =	simm.s32 @p1 $0x0;
	s19 =	sand.u32 $0x7, s19  }
0x1a: {  	[tilespmem:s20+$0x2040 ss:$0x81] =	vst.msk $0xffff, v60;
	s22 =	simm.s32 @p2 $0x0;
	s19 =	smul.u32 $0x2400, s19;
	s18 =	ssub.s32 s23, s29  }
0x1b: {  	[tilespmem:s20+$0x2850 ss:$0x81] =	vst.msk $0xffff, v61;
	s21 =	smul.u32 s22, s21;
	s30 =	sshrl.u32 s18, $0x3;
	s18 =	sand.u32 $0x7, s18  }
0x1c: {  	[tilespmem:s20+$0x3060 ss:$0x81] =	vst.msk $0xffff, v62;
	s22 =	sadd.s32 s2, s30;
	s18 =	sshll.u32 s18, $0x12  }
0x1d: {  	[tilespmem:s20+$0x0 ss:$0x81] =	vst.msk $0xffff, v63;
	s31 =	sand.u32 $0x3FFFFFFE, s21;
	s19 =	sadd.s32 s19, s22;
	s18 =	sor.u32 $0x80, s18  }
0x1e: {  	[hbm4b:s19+s18] =	stream.strided.scatter [tilespmem:s17], [sflag:$0x2], s31, s9, s18, $0x20;
	[tilespmem:$0x10100] =	vst v63  }
.LBB1_5:
0x1f: {  	p1 =	slt.u32 s14, $0x2  }
0x20: {  	s18 =	smov.u32 s16;
	p2 =	sgt.s32 @!p1 s16, $0x7;
	s17 =	sshra.s32 @!p1 s16, $0x1F  }
0x21: {  	p3 =	sgt.s32 @!p1 s15, $0x11F80;
	s19 =	sshra.s32 @!p1 s15, $0x1F;
	p2 =	por !p2, p1  }
0x22: {  	s16 =	sand.u32 @!p1 s17, s16;
	p3 =	por !p3, p1;
	s17 =	smov.u32 s15  }
0x23: {  	s15 =	sand.u32 @!p1 s19, s15;
	s18 =	simm.s32 @p2 $0x7;
	s17 =	simm.s32 @p3 $0x11F80  }
0x24: {  	s19 =	smov.u32 s13;
	s16 =	ssub.s32 @!p1 s18, s16;
	s15 =	ssub.s32 @!p1 s17, s15  }
0x25: {  	s17 =	sadd.s32 @!p1 $0xFFFFFFF9, s16;
	s16 =	ssub.s32 @!p1 $0x8, s16;
	s18 =	sadd.s32 @!p1 $0xFFFEE080, s15  }
0x26: {  	p2 =	sgt.s32 @!p1 s17, $0x0;
	s16 =	smul.u32 @!p1 $0x56, s16;
	p3 =	sgt.s32 @!p1 s18, $0x7F  }
0x27: {  	s15 =	ssub.s32 @!p1 $0x12000, s15;
	p2 =	por !p2, p1;
	p3 =	por !p3, p1  }
0x28: {  	s17 =	sadd.s32 $0x200, s12;
	s16 =	simm.s32 @!p2 $0x0;
	s15 =	simm.s32 @!p3 $0x0  }
0x29: {  	p2 =	sgt.s32 s17, $0x11FFF;
	s15 =	smul.u32 @!p1 s15, s16;
	s16 =	sadd.s32 $0x8, s13  }
0x2a: {  	s19 =	smov.u32 @p2 s16  }
0x2b: {  	s17 =	smov.u32 @p2 s3;
	p2 =	sgt.s32 s19, $0x7  }
0x2c: {  	s19 =	smov.u32 @p2 s5;
	p2 =	sne.s32 s14, s8  }
.Ltmp1:
0x2d: {  	p0 =	por !p0, !p0;
	s18 =	simm.s32 @!p1 $0x2;
	(pc) =	sbr.rel @!p2 .LBB1_6-.Ltmp1, $4  }
0x2e: {  	s16 =	smov.u32 s11;
	s11 =	smov.u32 s13;
	s15 =	sand.u32 @!p1 $0x3FFFFFFE, s15  }
0x2f: {  	_ =	swait.ge @!p1 [sflag:s18], s15;
	s20 =	ssub.s32 @!p1 $0x0, s15;
	s15 =	smov.u32 s10  }
0x30: {  	s14 =	sadd.s32 $0x1, s14;
	s10 =	smov.u32 s12;
	[sflag:s18] =	ssyncset.done @!p1 $0x0  }
0x31: {  	s12 =	smov.u32 s17;
	s13 =	smov.u32 s19;
	[sflag:s18] =	ssyncadd.s32 @!p1 s20  }
.LBB1_1:
0x32: {  	p1 =	sge.u32 s14, s7  }
0x33: {  	s17 =	sand.u32 @!p1 $0x1FFFFFF, s12  }
0x34: {  	s18 =	smulhi.u32 @!p1 $0xE38E39, s17;
	_ =	sdelay $0x1  }
0x35: {  	s18 =	sshrl.u32 @!p1 s18, $0x8  }
0x36: {  	s18 =	smul.u32 @!p1 $0x12000, s18  }
0x37: {  	s19 =	smul.u32 @!p1 $0x120000, s13  }
0x38: {  	s31 =	sadd.s32 $0xFFFFFFFF, s14;
	s17 =	ssub.s32 @!p1 s17, s18;
	s18 =	sxor.u32 @!p1 $0xFFFFFFFF, s14  }
0x39: {  	s19 =	sadd.s32 @!p1 s4, s19;
	s18 =	sshll.u32 @!p1 s18, $0xE;
	s17 =	sshll.u32 @!p1 s17, $0x4  }
0x3a: {  	s18 =	sand.u32 @!p1 $0x4000, s18;
	s17 =	sadd.s32 @!p1 s17, s19;
	s19 =	simm.s32 @!p1 $0x0  }
0x3b: {  	[tilespmem:s18], [sflag:$0x1] =	stream.linear.gather @!p1 [hbm4b:s17+s19], $0x4000, $0x38;
	[tilespmem:$0x10100] =	vst v63  }
0x3c: {  	p1 =	sge.u32 s31, s7  }
.Ltmp2:
0x3d: {  	_ = 	snop;
	(pc) =	sbr.rel @p1 .LBB1_5-.Ltmp2, $1  }
0x3e: {  	_ =	sdelay $0x3  }
0x3f: {  	s17 =	simm.s32 $0x1  }
0x40: {  	_ =	swait.ge [sflag:s6], $0x4000;
	s17 =	simm.s32 @!p0 $0x0  }
0x41: {  	[sflag:s6] =	ssyncset.done $0x0;
	s18 =	sshll.u32 s17, $0xE  }
0x42: {  	[sflag:s6] =	ssyncadd.s32 $0xFFFFC000;
	s18 =	sor.u32 $0x40, s18  }
0x43: {  	s17 =	smul.u32 $0x10200, s17;
	v0 =	vld [tilespmem:s18+$0x30]  }
0x44: {  	v1 =	vld [tilespmem:s18+$0xFFFFFFD0]  }
0x45: {  	s17 =	sshrl.u32 s17, $0x2;
	v5 =	vld [tilespmem:s18+$0xFFFFFFE0]  }
0x46: {  	v6 =	vld [tilespmem:s18+$0xFFFFFFF0];
	s20 =	sor.u32 $0x8000, s17  }
0x47: {  	s31 =	sand.u32 $0x1, s14;
	v4 =	vld [tilespmem:s18+$0x0];
	s19 =	sadd.s32 $0x0, s20  }
0x48: {  	v3 =	vld [tilespmem:s18+$0x10];
	s17 =	smul.u32 $0x10200, s31;
	[tilespmem:s19+$0x3870 ss:$0x81] =	vst.msk $0xffff, v0  }
0x49: {  	v2 =	vld [tilespmem:s18+$0x20];
	[tilespmem:s19+$0x810 ss:$0x81] =	vst.msk $0xffff, v1  }
0x4a: {  	s17 =	sshrl.u32 s17, $0x2;
	v1 =	vld [tilespmem:s18+$0xFFFFFFC0];
	[tilespmem:s19+$0x1020 ss:$0x81] =	vst.msk $0xffff, v5;
	s18 =	sadd.s32 $0x80, s18  }
0x4b: {  	s21 =	simm.s32 $0x4;
	s22 =	simm.s32 $0x8;
	s17 =	sor.u32 $0x8000, s17;
	[tilespmem:s19+$0x1830 ss:$0x81] =	vst.msk $0xffff, v6;
	v0 =	vld [tilespmem:s18+$0x30]  }
.LBB1_3:
0x4c: {  	p1 =	sne.s32 s22, $0x1FC;
	v5 =	vld [tilespmem:s18+$0xFFFFFFD0];
	[tilespmem:s19+$0x2040 ss:$0x81] =	vst.msk $0xffff, v4  }
0x4d: {  	v6 =	vld [tilespmem:s18+$0xFFFFFFE0];
	[tilespmem:s19+$0x2850 ss:$0x81] =	vst.msk $0xffff, v3  }
0x4e: {  	s23 =	sshra.s32 s21, $0x2;
	s21 =	smov.u32 s22;
	v7 =	vld [tilespmem:s18+$0xFFFFFFF0];
	[tilespmem:s19+$0x3060 ss:$0x81] =	vst.msk $0xffff, v2  }
.Ltmp3:
0x4f: {  	v4 =	vld [tilespmem:s18+$0x0];
	[tilespmem:s19+$0x0 ss:$0x81] =	vst.msk $0xffff, v1;
	s19 =	sadd.s32 s23, s20;
	(pc) =	sbr.rel @p1 .LBB1_3-.Ltmp3, $4  }
0x50: {  	v3 =	vld [tilespmem:s18+$0x10];
	[tilespmem:s19+$0x3870 ss:$0x81] =	vst.msk $0xffff, v0  }
0x51: {  	[tilespmem:s19+$0x810 ss:$0x81] =	vst.msk $0xffff, v5;
	v2 =	vld [tilespmem:s18+$0x20]  }
0x52: {  	v1 =	vld [tilespmem:s18+$0xFFFFFFC0];
	[tilespmem:s19+$0x1020 ss:$0x81] =	vst.msk $0xffff, v6;
	s18 =	sadd.s32 $0x80, s18  }
0x53: {  	s22 =	sadd.s32 $0x4, s22;
	v0 =	vld [tilespmem:s18+$0x30];
	[tilespmem:s19+$0x1830 ss:$0x81] =	vst.msk $0xffff, v7  }
.Ltmp4:
0x54: {  	_ = 	snop;
	(pc) =	sbr.rel .LBB1_4-.Ltmp4, $1  }
0x55: {  	_ =	sdelay $0x3  }
.LBB1_6:
0x56: {  	_ =	sfence.sel $0x180000  }
0x57: {  	s2 =	simm.s32 $0x1;
	[bflag:$0x0] =	sbarrier.arrive $0xFFFF  }
0x58: {  	s31 =	simm.s32 $0x2;
	[sflag:s2] =	ssyncpa.u1 $0x1  }
0x59: {  	[sflag:s31] =	ssyncpa.u1 $0x1  }
0x5a: {  	p0 =	sne.s32 s0, $0x0;
	_ =	strace $0x90000047  }
0x5b: {  	s0 =	sadd.s32 @!p0 $0x100000, s1;
	[bflag:$0x2] =	sbarrier.arrive $0xFFFF  }
0x5c: {  	[sflag:s0] =	ssyncadd.tile.s32 @!p0 $0x1;
	_ =	shalt  }
.Lfunc_end1:
_tile_overlayer_lowered:
.L_overlay_start_2:
0x5d: {  	(tag) =	ssettag $0x2  }
0x5e: {  	s0 =	rddreg [dreg:$0x0];
	s2 =	stileid.u32  }
0x5f: {  	s1 =	rddreg [dreg:$0x1];
	p0 =	sne.s32 s2, $0x0  }
0x60: {  	s3 =	rddreg [dreg:$0x2];
	[bflag:$0x3] =	sbarrier.arrive $0xFFFF;
	s2 =	simm.s32 @!p0 $0x1C01  }
0x61: {  	[timem:s3], [sflag:s2] =	dma.local @!p0 [hbm:s0], s1  }
0x62: {  	s0 =	simm.s32 @!p0 $0x1  }
0x63: {  	_ =	swait.ge @!p0 [sflag:s0], s1  }
0x64: {  	s1 =	ssub.s32 @!p0 $0x0, s1;
	[sflag:s0] =	ssyncset.done @!p0 $0x0  }
0x65: {  	[sflag:s0] =	ssyncadd.s32 @!p0 s1  }
0x66: {  	[bflag:$0x3] =	sbarrier.arrive $0xFFFF  }
0x67: {  	_ =	shalt  }

</sc_bundles>
